<compile_context>
chip_gen: v7x
topology: tpu7x:2x2x1
jax: 0.10.2.dev20260603
libtpu: 0.0.44.dev20260713+nightly
codegen_flags: <defaults>
</compile_context>

<pallas_src>
import functools

import jax
import jax.numpy as jnp
from jax import lax
from jax.experimental import pallas as pl
from jax.experimental.pallas import tpu as pltpu
from jax.experimental.pallas import tpu_sc as plsc

_PREFIX = 32768
_S = 64
_CACHE_COLS = _PREFIX + _S * 16
_OUT_COLS = _PREFIX + _S
_NEG = jnp.finfo(jnp.float32).min
_NW = 32
_RPW = _S // _NW
_BLK = 32


@functools.partial(
    pl.kernel,
    out_type=jax.ShapeDtypeStruct((_S, _CACHE_COLS), jnp.bool_),
    mesh=plsc.VectorSubcoreMesh(core_axis_name="c", subcore_axis_name="s"),
    scratch_types=[
        pltpu.VMEM((_RPW,), jnp.int32),
        pltpu.VMEM((_RPW, _CACHE_COLS), jnp.bool_),
        pltpu.SemaphoreType.DMA,
    ],
)
def _sc_gather(table_hbm, idx_hbm, out_hbm, idx_v, rows_v, sem):
    wid = lax.axis_index("s") * 2 + lax.axis_index("c")
    base = wid * _RPW
    pltpu.sync_copy(idx_hbm.at[wid], idx_v)
    pltpu.async_copy(table_hbm.at[idx_v], rows_v, sem).wait()
    pltpu.sync_copy(rows_v, out_hbm.at[pl.ds(base, _RPW)])


def _convert_body(g_ref, out_ref):
    zero = jnp.float32(0.0)
    neg = jnp.float32(_NEG)
    row0 = _BLK * pl.program_id(0)
    ri = lax.broadcasted_iota(jnp.int32, (_BLK, _S), 0) + row0
    ci = lax.broadcasted_iota(jnp.int32, (_BLK, _S), 1)
    mask = jnp.concatenate([g_ref[:, :_PREFIX], ri == ci], axis=1)
    out_ref[...] = jnp.where(mask, zero, neg)


def kernel(parent_indices, tree_mask_cache, eye_block):
    del eye_block
    cache = tree_mask_cache.reshape(_S, _CACHE_COLS)
    idx = parent_indices.reshape(_NW, _RPW)

    gathered = _sc_gather(cache, idx)

    out = pl.pallas_call(
        _convert_body,
        grid=(_S // _BLK,),
        in_specs=[pl.BlockSpec((_BLK, _CACHE_COLS), lambda i: (i, 0))],
        out_specs=pl.BlockSpec((_BLK, _OUT_COLS), lambda i: (i, 0)),
        out_shape=jax.ShapeDtypeStruct((_S, _OUT_COLS), jnp.float32),
    )(gathered)
    return out.reshape(1, 1, _S, _OUT_COLS)

# --- scband reference (transcript-rebuilt; emitter-appended) ---
"""Pipeline reference for scband-tree-mask-cache-9740985828052 (READ-ONLY COPY).

The authoritative reference and input builder live on the scoring server;
editing this copy changes nothing except your own understanding.
"""

import jax, jax.numpy as jnp
import numpy as np

PREFIX_LEN = 32768
SAMPLE_LEN = 64
MAX_DEPTH = 16
MAX_CACHE_LEN = PREFIX_LEN + SAMPLE_LEN * MAX_DEPTH


def invert_mask(mask, dtype=jnp.float32):
    # bool attention mask -> additive mask: True -> 0, False -> dtype min
    return jnp.where(mask,
                     jnp.zeros((), dtype=dtype),
                     jnp.full((), jnp.finfo(dtype).min, dtype=dtype))


def setup_inputs(seed: int = 0) -> dict:
    key = jax.random.key(seed)
    parent_indices = jax.random.randint(key, (1, SAMPLE_LEN), 0, SAMPLE_LEN, dtype=jnp.int32)
    # module state built in __init__
    tree_mask_cache = jnp.zeros((1, 1, SAMPLE_LEN, MAX_CACHE_LEN), dtype=bool)
    tree_mask_cache = tree_mask_cache.at[:, :, 0, :PREFIX_LEN].set(True)
    eye_block = jnp.eye(SAMPLE_LEN, dtype=bool)[None, None]
    return {"parent_indices": parent_indices,
            "tree_mask_cache": tree_mask_cache,
            "eye_block": eye_block}


def reference(parent_indices, tree_mask_cache, eye_block):
    current_len = PREFIX_LEN
    # tree_mask_cache[..., :cur] = tree_mask_cache[..., parent_indices[0], :cur]
    gathered = tree_mask_cache[:, :, parent_indices[0], :current_len]
    cache = tree_mask_cache.at[..., :current_len].set(gathered)
    # tree_mask_cache[..., cur:cur+S] = eye_block
    cache = cache.at[..., current_len:current_len + SAMPLE_LEN].set(eye_block)
    current_len = current_len + SAMPLE_LEN
    return invert_mask(cache[..., :current_len], dtype=jnp.float32)

if __name__ == "__main__":
    import jax
    _d = setup_inputs()
    print(jax.jit(kernel)(*tuple(_d.values())))

</pallas_src>

<mosaic_0001>
#map = affine_map<(d0, d1) -> (0, 0)>
module attributes {stable_mosaic.version = 14 : i64} {
  func.func @_sc_gather(%arg0: i32, %arg1: i32, %arg2: memref<64x33792xi32, #tpu.memory_space<hbm>>, %arg3: memref<32x2xi32, #tpu.memory_space<hbm>>, %arg4: memref<64x33792xi32, #tpu.memory_space<hbm>>, %arg5: memref<2xi32, #tpu.memory_space<vmem>>, %arg6: memref<2x33792xi32, #tpu.memory_space<vmem>>, %arg7: memref<!tpu.dma_semaphore, #tpu.memory_space<semaphore_mem>>) attributes {dimension_semantics = [#tpu.dimension_semantics<core_parallel>, #tpu.dimension_semantics<subcore_parallel>], iteration_bounds = array<i64: 2, 16>, scalar_prefetch = 0 : i64, scratch_operands = 3 : i64, tpu.core_type = #tpu.core_type<sc_vector_subcore>, window_params = [{transform_indices = #map}, {transform_indices = #map}, {transform_indices = #map}]} {
    %mul3A = arith.constant 2 : i32
    %mul3A_0 = arith.muli %arg1, %mul3A : i32
    %add3A = arith.addi %mul3A_0, %arg0 : i32
    %mul3A_1 = arith.constant 2 : i32
    %mul3A_2 = arith.muli %add3A, %mul3A_1 : i32
    "tpu.region"() ({
      %run_scoped3A = tpu.sem_alloc : memref<!tpu.dma_semaphore, #tpu.memory_space<semaphore_mem>>
      %dma_start3A_7 = arith.constant 0 : i32
      %dma_start3A_8 = tpu.memref_slice %arg3[%add3A, %dma_start3A_7] : memref<32x2xi32, #tpu.memory_space<hbm>> -> memref<1x2xi32, #tpu.memory_space<hbm>>
      %dma_start3A_9 = tpu.memref_squeeze %dma_start3A_8 : memref<1x2xi32, #tpu.memory_space<hbm>> -> memref<2xi32, #tpu.memory_space<hbm>>
      %dma_start3A_10 = arith.constant 0 : i32
      %dma_start3A_11 = tpu.memref_slice %arg3[%add3A, %dma_start3A_10] : memref<32x2xi32, #tpu.memory_space<hbm>> -> memref<1x2xi32, #tpu.memory_space<hbm>>
      %dma_start3A_12 = tpu.memref_squeeze %dma_start3A_11 : memref<1x2xi32, #tpu.memory_space<hbm>> -> memref<2xi32, #tpu.memory_space<hbm>>
      tpu.enqueue_dma source(%dma_start3A_12 : memref<2xi32, #tpu.memory_space<hbm>>) target(%arg5 : memref<2xi32, #tpu.memory_space<vmem>>) target_semaphore(%run_scoped3A : memref<!tpu.dma_semaphore, #tpu.memory_space<semaphore_mem>>)
      %dma_wait3A_13 = arith.constant 0 : i32
      %dma_wait3A_14 = tpu.memref_slice %arg3[%add3A, %dma_wait3A_13] : memref<32x2xi32, #tpu.memory_space<hbm>> -> memref<1x2xi32, #tpu.memory_space<hbm>>
      %dma_wait3A_15 = tpu.memref_squeeze %dma_wait3A_14 : memref<1x2xi32, #tpu.memory_space<hbm>> -> memref<2xi32, #tpu.memory_space<hbm>>
      %dma_wait3A_16 = arith.constant 0 : i32
      %dma_wait3A_17 = tpu.memref_slice %arg3[%add3A, %dma_wait3A_16] : memref<32x2xi32, #tpu.memory_space<hbm>> -> memref<1x2xi32, #tpu.memory_space<hbm>>
      %dma_wait3A_18 = tpu.memref_squeeze %dma_wait3A_17 : memref<1x2xi32, #tpu.memory_space<hbm>> -> memref<2xi32, #tpu.memory_space<hbm>>
      tpu.wait_dma2 semaphore(%run_scoped3A : memref<!tpu.dma_semaphore, #tpu.memory_space<semaphore_mem>>) src(%dma_wait3A_18 : memref<2xi32, #tpu.memory_space<hbm>>) dst(%arg5 : memref<2xi32, #tpu.memory_space<vmem>>)
      tpu.yield
    }) : () -> ()
    %dma_start3A = arith.constant 0 : i32
    %dma_start3A_3 = arith.constant 0 : i32
    %dma_start3A_4 = tpu.memref_slice %arg2[%dma_start3A, %dma_start3A_3] : memref<64x33792xi32, #tpu.memory_space<hbm>> -> memref<64x33792xi32, #tpu.memory_space<hbm>>
    tpu.enqueue_indirect_dma source(%dma_start3A_4 : memref<64x33792xi32, #tpu.memory_space<hbm>>) target(%arg6 : memref<2x33792xi32, #tpu.memory_space<vmem>>) offsets(%arg5 : memref<2xi32, #tpu.memory_space<vmem>>) semaphore(%arg7 : memref<!tpu.dma_semaphore, #tpu.memory_space<semaphore_mem>>)
    %dma_wait3A = arith.constant 0 : i32
    %dma_wait3A_5 = arith.constant 0 : i32
    %dma_wait3A_6 = tpu.memref_slice %arg2[%dma_wait3A, %dma_wait3A_5] : memref<64x33792xi32, #tpu.memory_space<hbm>> -> memref<64x33792xi32, #tpu.memory_space<hbm>>
    tpu.wait_indirect_dma semaphore(%arg7 : memref<!tpu.dma_semaphore, #tpu.memory_space<semaphore_mem>>) src(%dma_wait3A_6 : memref<64x33792xi32, #tpu.memory_space<hbm>>) dst(%arg6 : memref<2x33792xi32, #tpu.memory_space<vmem>>)
    "tpu.region"() ({
      %run_scoped3A = tpu.sem_alloc : memref<!tpu.dma_semaphore, #tpu.memory_space<semaphore_mem>>
      %dma_start3A_7 = arith.constant 0 : i32
      %dma_start3A_8 = tpu.memref_slice %arg4[%mul3A_2, %dma_start3A_7] : memref<64x33792xi32, #tpu.memory_space<hbm>> -> memref<2x33792xi32, #tpu.memory_space<hbm>>
      %dma_start3A_9 = arith.constant 0 : i32
      %dma_start3A_10 = tpu.memref_slice %arg4[%mul3A_2, %dma_start3A_9] : memref<64x33792xi32, #tpu.memory_space<hbm>> -> memref<2x33792xi32, #tpu.memory_space<hbm>>
      tpu.enqueue_dma source(%arg6 : memref<2x33792xi32, #tpu.memory_space<vmem>>) target(%dma_start3A_10 : memref<2x33792xi32, #tpu.memory_space<hbm>>) target_semaphore(%run_scoped3A : memref<!tpu.dma_semaphore, #tpu.memory_space<semaphore_mem>>)
      %dma_wait3A_11 = arith.constant 0 : i32
      %dma_wait3A_12 = tpu.memref_slice %arg4[%mul3A_2, %dma_wait3A_11] : memref<64x33792xi32, #tpu.memory_space<hbm>> -> memref<2x33792xi32, #tpu.memory_space<hbm>>
      %dma_wait3A_13 = arith.constant 0 : i32
      %dma_wait3A_14 = tpu.memref_slice %arg4[%mul3A_2, %dma_wait3A_13] : memref<64x33792xi32, #tpu.memory_space<hbm>> -> memref<2x33792xi32, #tpu.memory_space<hbm>>
      tpu.wait_dma2 semaphore(%run_scoped3A : memref<!tpu.dma_semaphore, #tpu.memory_space<semaphore_mem>>) src(%arg6 : memref<2x33792xi32, #tpu.memory_space<vmem>>) dst(%dma_wait3A_14 : memref<2x33792xi32, #tpu.memory_space<hbm>>)
      tpu.yield
    }) : () -> ()
    return
  }
}

module attributes {stable_mosaic.version = 14 : i64} {
  func.func @_convert_body(%arg0: i32, %arg1: memref<32x33792xi32, #tpu.memory_space<vmem>>, %arg2: memref<32x32832xf32, #tpu.memory_space<vmem>>) attributes {dimension_semantics = [#tpu.dimension_semantics<arbitrary>], iteration_bounds = array<i64: 2>, scalar_prefetch = 0 : i64, scratch_operands = 0 : i64, tpu.core_type = #tpu.core_type<tc>, window_params = [{transform_indices = @transform_0, window_bounds = array<i64: 32, 33792>}, {transform_indices = @transform_1, window_bounds = array<i64: 32, 32832>}]} {
    %mul3A = arith.constant 32 : i32
    %mul3A_0 = arith.muli %mul3A, %arg0 : i32
    %iota3A = tpu.iota {dimensions = array<i32: 0>} : vector<32x64xi32>
    %add3A = vector.broadcast %mul3A_0 : i32 to vector<32x64xi32>
    %add3A_1 = arith.addi %iota3A, %add3A : vector<32x64xi32>
    %iota3A_2 = tpu.iota {dimensions = array<i32: 1>} : vector<32x64xi32>
    %get3A = arith.constant 0 : index
    %get3A_3 = arith.constant 0 : index
    %get3A_4 = vector.load %arg1[%get3A, %get3A_3] : memref<32x33792xi32, #tpu.memory_space<vmem>>, vector<32x32768xi32>
    %get3A_5 = arith.constant dense<0> : vector<32x32768xi32>
    %get3A_6 = arith.cmpi ne, %get3A_4, %get3A_5 : vector<32x32768xi32>
    %eq3A = arith.cmpi eq, %add3A_1, %iota3A_2 : vector<32x64xi32>
    %concatenate3A = tpu.concatenate %get3A_6, %eq3A in 1 : vector<32x32768xi1>, vector<32x64xi1> -> vector<32x32832xi1>
    %jit3A = arith.constant 0.000000e+00 : f32
    %jit3A_7 = arith.constant -3.40282347E+38 : f32
    %broadcast_in_dim3A = vector.broadcast %jit3A : f32 to vector<32x32832xf32>
    %broadcast_in_dim3A_8 = vector.broadcast %jit3A_7 : f32 to vector<32x32832xf32>
    %select_n3A = arith.select %concatenate3A, %broadcast_in_dim3A, %broadcast_in_dim3A_8 : vector<32x32832xi1>, vector<32x32832xf32>
    %swap3A = arith.constant 0 : index
    %swap3A_9 = arith.constant 0 : index
    %swap3A_10 = vector.load %arg2[%swap3A, %swap3A_9] : memref<32x32832xf32, #tpu.memory_space<vmem>>, vector<32x32832xf32>
    tpu.vector_store %arg2[%swap3A, %swap3A_9], %select_n3A {strides = array<i32>} : memref<32x32832xf32, #tpu.memory_space<vmem>>, vector<32x32832xf32>,
    return
  }
  func.func @transform_0(%arg0: i32) -> (i32, i32) {
    %c0_i32 = arith.constant 0 : i32
    %c0_i32_0 = arith.constant 0 : i32
    return %arg0, %c0_i32 : i32, i32
  }
  func.func @transform_1(%arg0: i32) -> (i32, i32) {
    %c0_i32 = arith.constant 0 : i32
    %c0_i32_0 = arith.constant 0 : i32
    return %arg0, %c0_i32 : i32, i32
  }
}

</mosaic_0001>

<sc_bundles>
// kernel: kernel.4.cloned.1.call-start
scs
__scs_entry_jumppad:
0x0: {  	(pc) =	sbr.rel $0x88, $3  }
0x1: {  	(tag) =	ssettag $0x0;
	lr =	simm.s32 $0x1  }
0x2: {  	[smem:$0x3F9F] =	sst lr;
	_ =	strace $0xD0000000  }
0x3: {  	_ = 	snop  }
0x4: {  	_ = 	snop  }
0x5: {  	_ = 	snop  }
0x6: {  	_ = 	snop  }
0x7: {  	_ = 	snop  }
__scs_overlays_trampoline_lowered:
0x8: {  	[smem:$0x3FAE] =	sst s0  }
0x9: {  	[smem:$0x3FAF] =	sst s1  }
0xa: {  	[smem:$0x3FB0] =	sst s2  }
0xb: {  	[smem:$0x3FB1] =	sst s3  }
0xc: {  	[smem:$0x3FB2] =	sst s4  }
0xd: {  	[smem:$0x3FB3] =	sst s5  }
0xe: {  	[smem:$0x3FB4] =	sst s6  }
0xf: {  	[smem:$0x3FB5] =	sst s7  }
0x10: {  	[smem:$0x3FB6] =	sst s8  }
0x11: {  	[smem:$0x3FB7] =	sst s9;
	s0 =	simm.s32 @!p0 $0x0  }
0x12: {  	s1 =	sld [smem:$0x3F9D];
	s0 =	simm.s32 @p0 $0x1  }
0x13: {  	[smem:$0x3FB8] =	sst s0;
	s0 =	simm.s32 @!p1 $0x0  }
0x14: {  	s2 =	sld [smem:$0x3F9C];
	s0 =	simm.s32 @p1 $0x1  }
0x15: {  	[smem:$0x3FB9] =	sst s0;
	s0 =	simm.s32 @!p2 $0x0  }
0x16: {  	s3 =	sld [smem:$0x3FDB];
	s0 =	simm.s32 @p2 $0x1  }
0x17: {  	s4 =	simm.s32 $0x1BF5;
	[smem:$0x3FBB] =	sst s0  }
0x18: {  	s0 =	sld [smem:$0x3F9E];
	_ =	swait.ge [sflag:s4], $0x0  }
0x19: {  	s7 =	sld [smem:$0x3F9F]  }
0x1a: {  	s8 =	sadd.s32 $0xFFFFE003, lr  }
0x1b: {  	s9 =	sadd.s32 $0xFFFFFEF7, lr;
	s5 =	simm.s32 $0xFFFFFFFF;
	p2 =	slt.u32 s8, $0xFFFFF086  }
0x1c: {  	p1 =	slt.u32 s9, $0xF7A;
	s5 =	simm.s32 @!p2 $0x0  }
0x1d: {  	s5 =	simm.s32 @p1 $0x1;
	p0 =	seq.s32 s7, s2  }
0x1e: {  	s7 =	smul.u32 @!p0 $0xF7A, s2;
	p2 =	seq.s32 @!p0 s5, $0x0  }
0x1f: {  	s9 =	smul.u32 $0xF7A, s1;
	s8 =	simm.s32 @!p0 $0x1BF5;
	p2 =	por !p2, p0  }
0x20: {  	[sflag:s8] =	ssyncset.s32 @!p0 $0xFFFFF086;
	s6 =	sadd.s32 @!p0 s3, s7;
	s7 =	simm.s32 @!p0 $0x108  }
0x21: {  	s3 =	sadd.s32 s3, s9;
	s6 =	sadd.s32 @!p0 $0x88, s6;
	s7 =	simm.s32 @p2 $0x1082  }
0x22: {  	[simem:s7], [sflag:s8] =	dma.local @!p0 [hbm:s6], $0xF7A  }
0x23: {  	s9 =	sor.u32 $0xD0000000, s2;
	s6 =	simm.s32 $0x108;
	_ =	swait.ge @!p0 [sflag:s8], $0x0  }
0x24: {  	s3 =	sadd.s32 $0x88, s3;
	s6 =	simm.s32 @!p1 $0x1082;
	[sflag:s4] =	ssyncset.s32 $0xFFFFF086  }
0x25: {  	[simem:s6], [sflag:s4] =	dma.local [hbm:s3], $0xF7A  }
0x26: {  	[smem:$0x3F9F] =	sst s1;
	(tag) =	ssettag s2;
	_ =	strace s9  }
0x27: {  	s1 =	sld [smem:$0x3FAF]  }
0x28: {  	s2 =	sld [smem:$0x3FB0]  }
0x29: {  	s4 =	sld [smem:$0x3FB2]  }
0x2a: {  	p0 =	seq.s32 s5, $0x0;
	s5 =	sld [smem:$0x3FB3]  }
0x2b: {  	s6 =	sld [smem:$0x3FB4]  }
0x2c: {  	s7 =	sld [smem:$0x3FB5]  }
0x2d: {  	s3 =	simm.s32 $0x108;
	s8 =	sld [smem:$0x3FB6]  }
0x2e: {  	s3 =	simm.s32 @!p0 $0x1082;
	s9 =	sld [smem:$0x3FB7]  }
0x2f: {  	lr =	sadd.s32 s0, s3;
	s0 =	sld [smem:$0x3FAE]  }
0x30: {  	s3 =	sld [smem:$0x3FB1]  }
0x31: {  	[smem:$0x3FBA] =	sst s10  }
0x32: {  	s10 =	sld [smem:$0x3FB8];
	_ =	sdelay $0x3  }
0x33: {  	p0 =	seq.s32 s10, $0x1;
	s10 =	sld [smem:$0x3FBA];
	_ =	sdelay $0x3  }
0x34: {  	[smem:$0x3FBA] =	sst s10  }
0x35: {  	s10 =	sld [smem:$0x3FB9];
	_ =	sdelay $0x3  }
0x36: {  	p1 =	seq.s32 s10, $0x1;
	s10 =	sld [smem:$0x3FBA];
	_ =	sdelay $0x3  }
0x37: {  	[smem:$0x3FBA] =	sst s10  }
0x38: {  	s10 =	sld [smem:$0x3FBB]  }
0x39: {  	_ = 	snop;
	(pc) =	sbr.ind lr, $3  }
0x3a: {  	_ = 	snop  }
0x3b: {  	_ = 	snop  }
0x3c: {  	p2 =	seq.s32 s10, $0x1;
	s10 =	sld [smem:$0x3FBA]  }
0x3d: {  	_ =	shalt  }
0x3e: {  	_ =	shalt  }
0x3f: {  	_ =	shalt  }
0x40: {  	_ =	shalt  }
0x41: {  	_ =	shalt  }
0x42: {  	_ =	shalt  }
0x43: {  	_ =	shalt  }
0x44: {  	_ =	shalt  }
0x45: {  	_ =	shalt  }
0x46: {  	_ =	shalt  }
0x47: {  	_ =	shalt  }
0x48: {  	_ =	shalt  }
0x49: {  	_ =	shalt  }
0x4a: {  	_ =	shalt  }
0x4b: {  	_ =	shalt  }
0x4c: {  	_ =	shalt  }
0x4d: {  	_ =	shalt  }
0x4e: {  	_ =	shalt  }
0x4f: {  	_ =	shalt  }
0x50: {  	_ =	shalt  }
0x51: {  	_ =	shalt  }
0x52: {  	_ =	shalt  }
0x53: {  	_ =	shalt  }
0x54: {  	_ =	shalt  }
0x55: {  	_ =	shalt  }
0x56: {  	_ =	shalt  }
0x57: {  	_ =	shalt  }
0x58: {  	_ =	shalt  }
0x59: {  	_ =	shalt  }
0x5a: {  	_ =	shalt  }
0x5b: {  	_ =	shalt  }
0x5c: {  	_ =	shalt  }
0x5d: {  	_ =	shalt  }
0x5e: {  	_ =	shalt  }
0x5f: {  	_ =	shalt  }
0x60: {  	_ =	shalt  }
0x61: {  	_ =	shalt  }
0x62: {  	_ =	shalt  }
0x63: {  	_ =	shalt  }
0x64: {  	_ =	shalt  }
0x65: {  	_ =	shalt  }
0x66: {  	_ =	shalt  }
0x67: {  	_ =	shalt  }
0x68: {  	_ =	shalt  }
0x69: {  	_ =	shalt  }
0x6a: {  	_ =	shalt  }
0x6b: {  	_ =	shalt  }
0x6c: {  	_ =	shalt  }
0x6d: {  	_ =	shalt  }
0x6e: {  	_ =	shalt  }
0x6f: {  	_ =	shalt  }
0x70: {  	_ =	shalt  }
0x71: {  	_ =	shalt  }
0x72: {  	_ =	shalt  }
0x73: {  	_ =	shalt  }
0x74: {  	_ =	shalt  }
0x75: {  	_ =	shalt  }
0x76: {  	_ =	shalt  }
0x77: {  	_ =	shalt  }
0x78: {  	_ =	shalt  }
0x79: {  	_ =	shalt  }
0x7a: {  	_ =	shalt  }
0x7b: {  	_ =	shalt  }
0x7c: {  	_ =	shalt  }
0x7d: {  	_ =	shalt  }
0x7e: {  	_ =	shalt  }
0x7f: {  	_ =	shalt  }
0x80: {  	_ =	shalt  }
0x81: {  	_ =	shalt  }
0x82: {  	_ =	shalt  }
0x83: {  	_ =	shalt  }
0x84: {  	_ =	shalt  }
0x85: {  	_ =	shalt  }
0x86: {  	_ =	shalt  }
0x87: {  	_ =	shalt  }
.Lfunc_end0:
.L_simem_size_0:
called_computation_lowered:
.L_overlay_start_0:
0x88: {  	s2 =	sld [smem:$0x3FD9]  }
0x89: {  	s3 =	sld [smem:$0x3FFE];
	_ =	sdelay $0x1  }
0x8a: {  	s1 =	srdreg.scid  }
0x8b: {  	s0 =	sand.u32 $0x1, s1  }
0x8c: {  	s17 =	sshll.u32 s0, $0xA;
	s2 =	sadd.s32 s3, s2  }
0x8d: {  	s2 =	sadd.s32 s2, s17  }
0x8e: {  	[smem:$0x3FC6] =	sst s2  }
0x8f: {  	_ = 	snop  }
0x90: {  	s2 =	sld [smem:$0x3FD0];
	(tm) =	ssettm $0x1  }
0x91: {  	s18 =	sld [smem:$0x3FFB];
	_ =	sdelay $0x3  }
0x92: {  	_ =	strace s18  }
0x93: {  	s3 =	sld [smem:$0x3FFC];
	_ =	sdelay $0x3  }
0x94: {  	_ =	strace s3  }
0x95: {  	s3 =	sld [smem:$0x3FFD];
	_ =	sdelay $0x3  }
0x96: {  	_ =	strace s3  }
0x97: {  	_ =	strace $0x8FFFFFFF  }
0x98: {  	s19 =	sld [smem:$0x3FDB];
	_ =	sdelay $0x1  }
0x99: {  	s4 =	simm.s32 $_scs_section_size  }
0x9a: {  	s5 =	simm.s32 $_size__tile_overlayer_lowered;
	s6 =	simm.s32 $_tile_overlayer_lowered  }
0x9b: {  	s22 =	simm.s32 $0x1BFF;
	s21 =	sshll.u32 s6, $0x1;
	s3 =	sadd.s32 s4, s19  }
0x9c: {  	s7 =	simm.s32 $0x0;
	s20 =	sshll.u32 s5, $0x1;
	s5 =	sadd.s32 s21, s3  }
0x9d: {  	[timem:s7], [sflag:s22] =	dma.local [hbm:s5], s20  }
0x9e: {  	_ =	swait.ge [sflag:s22], s20  }
0x9f: {  	s4 =	ssub.s32 $0x0, s20;
	[sflag:s22] =	ssyncset.done $0x0  }
0xa0: {  	[sflag:s22] =	ssyncadd.s32 s4;
	_ =	sdelay $0x1  }
0xa1: {  	s23 =	simm.s32 $0x1B8B  }
0xa2: {  	_ =	swait.ge [sflag:s23], $0x1  }
0xa3: {  	[sflag:s23] =	ssyncset.done $0x0  }
0xa4: {  	s25 =	simm.s32 $0x1B8E;
	s24 =	sld [smem:$0x3FFE];
	[sflag:s23] =	ssyncadd.s32 $0xFFFFFFFF  }
0xa5: {  	s26 =	simm.s32 $execute0_lowered;
	[smem:$0x3FD2] =	sst s25  }
0xa6: {  	s5 =	sshll.u32 s26, $0x1;
	_ =	strace $0x80000046;
	[dreg:$0x1] =	wrdreg $0xFFFFFFFF  }
0xa7: {  	s28 =	simm.s32 $_size_execute0_lowered;
	s3 =	sadd.s32 s3, s5;
	[dreg:$0x0] =	wrdreg $0x0  }
0xa8: {  	s5 =	sshll.u32 s28, $0x1;
	[dreg:$0x2] =	wrdreg s3  }
0xa9: {  	[dreg:$0x3] =	wrdreg s5  }
0xaa: {  	[dreg:$0x4] =	wrdreg $0xC0  }
0xab: {  	_ =	task [dreg:s7], $0x5FFFF  }
0xac: {  	[dreg:$0x1] =	wrdreg $0xFFFFFFFF  }
0xad: {  	[dreg:$0x0] =	wrdreg $0x60  }
0xae: {  	[dreg:$0x2] =	wrdreg s24  }
0xaf: {  	[dreg:$0x3] =	wrdreg s2  }
0xb0: {  	[dreg:$0x4] =	wrdreg $0x9  }
0xb1: {  	_ =	task.clear_ibuf [dreg:s7], $0x5FFFF;
	_ =	strace $0x90000046  }
0xb2: {  	s29 =	simm.s32 $0x9;
	_ =	strace $0x80000048  }
0xb3: {  	_ =	swait.ge [sflag:s29], $0x1  }
0xb4: {  	[sflag:s29] =	ssyncadd.s32 $0xFFFFFFFF  }
0xb5: {  	_ =	strace $0x90000048  }
0xb6: {  	_ =	sfence  }
0xb7: {  	s30 =	sld [smem:$0x0];
	_ =	sdelay $0x2  }
0xb8: {  	s31 =	sshll.u32 s1, $0xD;
	s1 =	sshrl.u32 s1, $0x2  }
0xb9: {  	s3 =	sand.u32 $0x4000, s31;
	s1 =	sadd.s32 s1, s30  }
0xba: {  	s0 =	sor.u32 s3, s0;
	s1 =	sshll.u32 s1, $0x11  }
0xbb: {  	s0 =	sor.u32 s1, s0  }
0xbc: {  	s0 =	sadd.s32 $0x8F2B, s0  }
0xbd: {  	[sflag:s0] =	ssyncadd.remote.s32 $0x1  }
0xbe: {  	_ =	sfence.sel $0xFFFF  }
0xbf: {  	[dreg:$0x0] =	wrdreg $0xFFFFFFFF;
	(pc) =	sbr.abs _section_cstart, $3  }
0xc0: {  	[dreg:$0x1] =	wrdreg $0xFFFFFFFF  }
0xc1: {  	_ =	task.clear_ibuf [dreg:s7], $0x2FFFF;
	_ =	strace $0x9FFFFFFF  }
0xc2: {  	(tm) =	ssettm $0x7FFFFFFF  }
0xc3: {  	_ =	shalt  }
tec
execute0_lowered:
.L_overlay_start_1:
0x0: {  	(tag) =	ssettag $0x1  }
0x1: {  	s16 =	rddreg [dreg:$0x0]  }
0x2: {  	s4 =	rddreg [dreg:$0x1]  }
0x3: {  	s9 =	rddreg [dreg:$0x2];
	s2 =	simm.s32 $0x0  }
0x4: {  	[smem:$0x7FF] =	sst s2;
	s7 =	sadd.s32 $0x400, s16  }
0x5: {  	s8 =	sadd.s32 $0x800, s16;
	_ =	strace $0x80000047;
	[dreg:$0x4] =	wrdreg s7  }
0x6: {  	s10 =	sadd.s32 $0xC00, s16;
	[dreg:$0x5] =	wrdreg s8  }
0x7: {  	s11 =	sadd.s32 $0x1000, s16;
	[dreg:$0x6] =	wrdreg s10  }
0x8: {  	s12 =	sadd.s32 $0x1400, s16;
	[dreg:$0x7] =	wrdreg s11  }
0x9: {  	s13 =	sadd.s32 $0x1800, s16;
	[dreg:$0x8] =	wrdreg s12  }
0xa: {  	s14 =	sadd.s32 $0x1C00, s16;
	[dreg:$0x9] =	wrdreg s13  }
0xb: {  	s15 =	sadd.s32 $0x2000, s16;
	[dreg:$0xa] =	wrdreg s14  }
0xc: {  	s17 =	sadd.s32 $0x2400, s16;
	[dreg:$0xb] =	wrdreg s15  }
0xd: {  	s18 =	sadd.s32 $0x2800, s16;
	[dreg:$0xc] =	wrdreg s17  }
0xe: {  	s19 =	sadd.s32 $0x2C00, s16;
	[dreg:$0xd] =	wrdreg s18  }
0xf: {  	s20 =	sadd.s32 $0x3000, s16;
	[dreg:$0xe] =	wrdreg s19  }
0x10: {  	s21 =	sadd.s32 $0x3400, s16;
	[dreg:$0xf] =	wrdreg s20  }
0x11: {  	s22 =	sadd.s32 $0x3800, s16;
	[dreg:$0x10] =	wrdreg s21  }
0x12: {  	s23 =	sadd.s32 $0x3C00, s16;
	[dreg:$0x11] =	wrdreg s22  }
0x13: {  	s24 =	sadd.s32 $0x4000, s16;
	[dreg:$0x12] =	wrdreg s23  }
0x14: {  	s25 =	sadd.s32 $0x4400, s16;
	[dreg:$0x13] =	wrdreg s24  }
0x15: {  	s0 =	srdreg.scid;
	s26 =	sadd.s32 $0x4800, s16;
	[dreg:$0x14] =	wrdreg s25  }
0x16: {  	s3 =	stileid.u32;
	s28 =	sadd.s32 $0x4C00, s16;
	[dreg:$0x15] =	wrdreg s26  }
0x17: {  	s1 =	sand.u32 $0x1, s0;
	s29 =	sadd.s32 $0x5000, s16;
	[dreg:$0x16] =	wrdreg s28  }
0x18: {  	s6 =	sshll.u32 s3, $0x1;
	s30 =	sadd.s32 $0x5400, s16;
	[dreg:$0x17] =	wrdreg s29  }
0x19: {  	s0 =	sor.u32 s1, s6;
	[dreg:$0x18] =	wrdreg s30;
	s6 =	sadd.s32 $0x5C00, s16  }
0x1a: {  	s7 =	sadd.s32 $0x6000, s16;
	[dreg:$0x1a] =	wrdreg s6  }
0x1b: {  	s8 =	sadd.s32 $0x6400, s16;
	[dreg:$0x1b] =	wrdreg s7  }
0x1c: {  	s11 =	sadd.s32 $0x6800, s16;
	[dreg:$0x1c] =	wrdreg s8  }
0x1d: {  	s12 =	sadd.s32 $0x6C00, s16;
	[dreg:$0x1d] =	wrdreg s11  }
0x1e: {  	s13 =	sadd.s32 $0x7000, s16;
	[dreg:$0x1e] =	wrdreg s12  }
0x1f: {  	s14 =	sadd.s32 $0x7400, s16;
	[dreg:$0x1f] =	wrdreg s13  }
0x20: {  	s15 =	sadd.s32 $0x7800, s16;
	[smem:$0x7EF] =	sst s14  }
0x21: {  	s17 =	sadd.s32 $0x7C00, s16;
	[smem:$0x7F0] =	sst s15  }
0x22: {  	s18 =	sadd.s32 $0x8000, s16;
	[smem:$0x7F1] =	sst s17  }
0x23: {  	s19 =	simm.s32 $0x880;
	[smem:$0x7F2] =	sst s18  }
0x24: {  	s20 =	simm.s32 $0x1080;
	[smem:$0x7F4] =	sst s19  }
0x25: {  	s21 =	simm.s32 $0x1880;
	[smem:$0x7F5] =	sst s20  }
0x26: {  	s22 =	simm.s32 $0x2080;
	[smem:$0x7F6] =	sst s21  }
0x27: {  	s31 =	simm.s32 $0x80;
	s23 =	simm.s32 $0x2880;
	[smem:$0x7F7] =	sst s22  }
0x28: {  	p0 =	por $0x0, $0x0;
	s25 =	simm.s32 $0x3080;
	[smem:$0x7F8] =	sst s23  }
0x29: {  	s10 =	sshrl.u32 s3, $0x1;
	s26 =	simm.s32 $0x3880;
	[smem:$0x7F9] =	sst s25  }
0x2a: {  	s1 =	ssub.s32 $0x2, s1;
	s28 =	simm.s32 $0x4080;
	[smem:$0x7FA] =	sst s26  }
0x2b: {  	s29 =	simm.s32 $0x4880;
	s30 =	simm.s32 $0x5080;
	[smem:$0x7FB] =	sst s28  }
0x2c: {  	s5 =	sshll.u32 s0, $0x4;
	s0 =	sshll.u32 s0, $0x8;
	[smem:$0x7FC] =	sst s29  }
0x2d: {  	s24 =	sshrl.u32 s1, $0x1;
	[smem:$0x7FD] =	sst s30;
	s6 =	simm.s32 $0x6880  }
0x2e: {  	s13 =	simm.s32 $0xD080;
	s4 =	sadd.s32 s4, s5;
	s5 =	sadd.s32 $0x5800, s16  }
0x2f: {  	s1 =	ssub.s32 s1, s24;
	[dreg:$0x19] =	wrdreg s5;
	s5 =	smul.u32 $0x42000, s10  }
0x30: {  	s12 =	simm.s32 $0xD880;
	s0 =	sand.u32 $0x300, s0;
	s1 =	smax.u32 s1, $0x1  }
0x31: {  	s11 =	simm.s32 $0xE080;
	p1 =	sne.s32 s1, $0x1;
	s0 =	sor.u32 s5, s0  }
.Ltmp0:
0x32: {  	s14 =	simm.s32 $0xF080;
	s0 =	sshrl.u32 s0, $0x3;
	(pc) =	sbr.rel @!p1 .LBB2_1-.Ltmp0, $4  }
0x33: {  	s15 =	simm.s32 $0xF880;
	s17 =	simm.s32 $0x10080;
	s0 =	sadd.s32 s0, s16  }
0x34: {  	v0 =	vlaneseq.u32;
	s7 =	simm.s32 $0x1;
	[dreg:$0x3] =	wrdreg s4;
	s0 =	sadd.s32 $0x42000, s0  }
0x35: {  	v1 =	vshrl.u32 v0, $0x1;
	s4 =	simm.s32 $0x2;
	s10 =	simm.s32 $0xE880;
	[smem:$0x7F3] =	sst s0  }
0x36: {  	vm0 =	vmmov $0xffff;
	v0 =	vand.u32 $0x1, v0;
	v1 =	vmul.u32 $0x8, v1;
	s3 =	sadd.s32 $0xFFFFFFFF, s1;
	s5 =	simm.s32 $0x6080;
	s0 =	rddreg [dreg:$0x3]  }
0x37: {  	[tilespmem:s2], [sflag:$0x2] =	stream.linear.gather [hbm4b:s0+s2], $0x80, $0x38;
	[tilespmem:$0x10880] =	vst v63  }
0x38: {  	_ =	swait.ge [sflag:s4], $0x80  }
0x39: {  	[sflag:s4] =	ssyncset.done $0x0  }
0x3a: {  	[sflag:s4] =	ssyncadd.s32 $0xFFFFFF80  }
0x3b: {  	v2 =	vld.msk [tilespmem:$0x0], $0x3;
	_ =	sdelay $0x4  }
0x3c: {  	v3 =	vshrl.u32 v2, $0x3  }
0x3d: {  	v3 =	vmul.u32 $0x840, v3  }
0x3e: {  	v2 =	vand.u32 $0x7, v2  }
0x3f: {  	v2 =	vor.u32 v2, v3  }
0x40: {  	v2 =	vperm.xlane v2, v0;
	_ =	sdelay $0x1  }
0x41: {  	v2 =	vadd.s32 v1, v2;
	_ =	sdelay $0x1  }
0x42: {  	s9 =	sld [smem:$0x7F5]  }
0x43: {  	s1 =	sld [smem:$0x7F4]  }
0x44: {  	s0 =	rddreg [dreg:$0x4]  }
0x45: {  	[tilespmem:s31], [sflag:$0x1] =	stream.indirect_vreg.gather [hbm4b:s16+s2], $0x80, v2, vm0, $0xb8;
	[tilespmem:$0x10880] =	vst v63  }
0x46: {  	s18 =	rddreg [dreg:$0x5]  }
0x47: {  	[tilespmem:s1], [sflag:$0x1] =	stream.indirect_vreg.gather [hbm4b:s0+s2], $0x80, v2, vm0, $0xb8;
	[tilespmem:$0x10880] =	vst v63  }
0x48: {  	s1 =	sld [smem:$0x7F6]  }
0x49: {  	s0 =	rddreg [dreg:$0x7]  }
0x4a: {  	[tilespmem:s9], [sflag:$0x1] =	stream.indirect_vreg.gather [hbm4b:s18+s2], $0x80, v2, vm0, $0xb8;
	[tilespmem:$0x10880] =	vst v63  }
0x4b: {  	[smem:$0x7ED] =	sst s1  }
0x4c: {  	s9 =	sld [smem:$0x7ED]  }
0x4d: {  	s18 =	sld [smem:$0x7F7]  }
0x4e: {  	s1 =	rddreg [dreg:$0x6]  }
0x4f: {  	[tilespmem:s9], [sflag:$0x1] =	stream.indirect_vreg.gather [hbm4b:s1+s2], $0x80, v2, vm0, $0xb8;
	[tilespmem:$0x10880] =	vst v63  }
0x50: {  	s9 =	sld [smem:$0x7F8]  }
0x51: {  	s1 =	rddreg [dreg:$0x8]  }
0x52: {  	[tilespmem:s18], [sflag:$0x1] =	stream.indirect_vreg.gather [hbm4b:s0+s2], $0x80, v2, vm0, $0xb8;
	[tilespmem:$0x10880] =	vst v63  }
0x53: {  	s18 =	sld [smem:$0x7F9]  }
0x54: {  	s0 =	rddreg [dreg:$0x9]  }
0x55: {  	[tilespmem:s9], [sflag:$0x1] =	stream.indirect_vreg.gather [hbm4b:s1+s2], $0x80, v2, vm0, $0xb8;
	[tilespmem:$0x10880] =	vst v63  }
0x56: {  	s9 =	sld [smem:$0x7FA]  }
0x57: {  	s1 =	rddreg [dreg:$0xa]  }
0x58: {  	[tilespmem:s18], [sflag:$0x1] =	stream.indirect_vreg.gather [hbm4b:s0+s2], $0x80, v2, vm0, $0xb8;
	[tilespmem:$0x10880] =	vst v63  }
0x59: {  	s18 =	sld [smem:$0x7FB]  }
0x5a: {  	s0 =	rddreg [dreg:$0xb]  }
0x5b: {  	[tilespmem:s9], [sflag:$0x1] =	stream.indirect_vreg.gather [hbm4b:s1+s2], $0x80, v2, vm0, $0xb8;
	[tilespmem:$0x10880] =	vst v63  }
0x5c: {  	[smem:$0x7EE] =	sst s18  }
0x5d: {  	s18 =	sld [smem:$0x7EE]  }
0x5e: {  	s9 =	sld [smem:$0x7FC]  }
0x5f: {  	s1 =	rddreg [dreg:$0xc]  }
0x60: {  	[tilespmem:s18], [sflag:$0x1] =	stream.indirect_vreg.gather [hbm4b:s0+s2], $0x80, v2, vm0, $0xb8;
	[tilespmem:$0x10880] =	vst v63  }
0x61: {  	s18 =	sld [smem:$0x7FD]  }
0x62: {  	s0 =	rddreg [dreg:$0xd]  }
0x63: {  	[tilespmem:s9], [sflag:$0x1] =	stream.indirect_vreg.gather [hbm4b:s1+s2], $0x80, v2, vm0, $0xb8;
	[tilespmem:$0x10880] =	vst v63  }
0x64: {  	s9 =	rddreg [dreg:$0xe]  }
0x65: {  	[tilespmem:s18], [sflag:$0x1] =	stream.indirect_vreg.gather [hbm4b:s0+s2], $0x80, v2, vm0, $0xb8;
	[tilespmem:$0x10880] =	vst v63  }
0x66: {  	s0 =	rddreg [dreg:$0xf];
	s18 =	simm.s32 $0x5880  }
0x67: {  	[tilespmem:s18], [sflag:$0x1] =	stream.indirect_vreg.gather [hbm4b:s9+s2], $0x80, v2, vm0, $0xb8;
	[tilespmem:$0x10880] =	vst v63  }
0x68: {  	s18 =	rddreg [dreg:$0x10]  }
0x69: {  	[tilespmem:s5], [sflag:$0x1] =	stream.indirect_vreg.gather [hbm4b:s0+s2], $0x80, v2, vm0, $0xb8;
	[tilespmem:$0x10880] =	vst v63  }
0x6a: {  	s9 =	rddreg [dreg:$0x12]  }
0x6b: {  	[tilespmem:s6], [sflag:$0x1] =	stream.indirect_vreg.gather [hbm4b:s18+s2], $0x80, v2, vm0, $0xb8;
	[tilespmem:$0x10880] =	vst v63  }
0x6c: {  	s30 =	simm.s32 $0x7080;
	s5 =	rddreg [dreg:$0x11]  }
0x6d: {  	[tilespmem:s30], [sflag:$0x1] =	stream.indirect_vreg.gather [hbm4b:s5+s2], $0x80, v2, vm0, $0xb8;
	[tilespmem:$0x10880] =	vst v63  }
0x6e: {  	s29 =	simm.s32 $0x7880;
	s18 =	rddreg [dreg:$0x13]  }
0x6f: {  	[tilespmem:s29], [sflag:$0x1] =	stream.indirect_vreg.gather [hbm4b:s9+s2], $0x80, v2, vm0, $0xb8;
	[tilespmem:$0x10880] =	vst v63  }
0x70: {  	s28 =	simm.s32 $0x8080;
	s6 =	rddreg [dreg:$0x15]  }
0x71: {  	[tilespmem:s28], [sflag:$0x1] =	stream.indirect_vreg.gather [hbm4b:s18+s2], $0x80, v2, vm0, $0xb8;
	[tilespmem:$0x10880] =	vst v63  }
0x72: {  	s26 =	simm.s32 $0x8880;
	s5 =	rddreg [dreg:$0x14]  }
0x73: {  	[tilespmem:s26], [sflag:$0x1] =	stream.indirect_vreg.gather [hbm4b:s5+s2], $0x80, v2, vm0, $0xb8;
	[tilespmem:$0x10880] =	vst v63  }
0x74: {  	s25 =	simm.s32 $0x9080;
	s9 =	rddreg [dreg:$0x16]  }
0x75: {  	[tilespmem:s25], [sflag:$0x1] =	stream.indirect_vreg.gather [hbm4b:s6+s2], $0x80, v2, vm0, $0xb8;
	[tilespmem:$0x10880] =	vst v63  }
0x76: {  	s24 =	simm.s32 $0x9880;
	s18 =	rddreg [dreg:$0x17]  }
0x77: {  	[tilespmem:s24], [sflag:$0x1] =	stream.indirect_vreg.gather [hbm4b:s9+s2], $0x80, v2, vm0, $0xb8;
	[tilespmem:$0x10880] =	vst v63  }
0x78: {  	s23 =	simm.s32 $0xA080;
	s26 =	rddreg [dreg:$0x1a]  }
0x79: {  	[tilespmem:s23], [sflag:$0x1] =	stream.indirect_vreg.gather [hbm4b:s18+s2], $0x80, v2, vm0, $0xb8;
	[tilespmem:$0x10880] =	vst v63  }
0x7a: {  	s22 =	simm.s32 $0xA880;
	s24 =	rddreg [dreg:$0x18]  }
0x7b: {  	[tilespmem:s22], [sflag:$0x1] =	stream.indirect_vreg.gather [hbm4b:s24+s2], $0x80, v2, vm0, $0xb8;
	[tilespmem:$0x10880] =	vst v63  }
0x7c: {  	s21 =	simm.s32 $0xB080;
	s25 =	rddreg [dreg:$0x19]  }
0x7d: {  	[tilespmem:s21], [sflag:$0x1] =	stream.indirect_vreg.gather [hbm4b:s25+s2], $0x80, v2, vm0, $0xb8;
	[tilespmem:$0x10880] =	vst v63  }
0x7e: {  	s20 =	simm.s32 $0xB880;
	s5 =	rddreg [dreg:$0x1b]  }
0x7f: {  	[tilespmem:s20], [sflag:$0x1] =	stream.indirect_vreg.gather [hbm4b:s26+s2], $0x80, v2, vm0, $0xb8;
	[tilespmem:$0x10880] =	vst v63  }
0x80: {  	s19 =	simm.s32 $0xC080;
	s6 =	rddreg [dreg:$0x1c]  }
0x81: {  	[tilespmem:s19], [sflag:$0x1] =	stream.indirect_vreg.gather [hbm4b:s5+s2], $0x80, v2, vm0, $0xb8;
	[tilespmem:$0x10880] =	vst v63  }
0x82: {  	s8 =	simm.s32 $0xC880;
	s9 =	rddreg [dreg:$0x1d]  }
0x83: {  	[tilespmem:s8], [sflag:$0x1] =	stream.indirect_vreg.gather [hbm4b:s6+s2], $0x80, v2, vm0, $0xb8;
	[tilespmem:$0x10880] =	vst v63  }
0x84: {  	s18 =	rddreg [dreg:$0x1e]  }
0x85: {  	[tilespmem:s13], [sflag:$0x1] =	stream.indirect_vreg.gather [hbm4b:s9+s2], $0x80, v2, vm0, $0xb8;
	[tilespmem:$0x10880] =	vst v63  }
0x86: {  	s20 =	sld [smem:$0x7EF]  }
0x87: {  	[tilespmem:s12], [sflag:$0x1] =	stream.indirect_vreg.gather [hbm4b:s18+s2], $0x80, v2, vm0, $0xb8;
	[tilespmem:$0x10880] =	vst v63  }
0x88: {  	s19 =	rddreg [dreg:$0x1f]  }
0x89: {  	[tilespmem:s11], [sflag:$0x1] =	stream.indirect_vreg.gather [hbm4b:s19+s2], $0x80, v2, vm0, $0xb8;
	[tilespmem:$0x10880] =	vst v63  }
0x8a: {  	s21 =	sld [smem:$0x7F0]  }
0x8b: {  	[tilespmem:s10], [sflag:$0x1] =	stream.indirect_vreg.gather [hbm4b:s20+s2], $0x80, v2, vm0, $0xb8;
	[tilespmem:$0x10880] =	vst v63  }
0x8c: {  	p1 =	sne.s32 s3, $0x1;
	s22 =	sld [smem:$0x7F1]  }
0x8d: {  	[tilespmem:s14], [sflag:$0x1] =	stream.indirect_vreg.gather [hbm4b:s21+s2], $0x80, v2, vm0, $0xb8;
	[tilespmem:$0x10880] =	vst v63  }
0x8e: {  	p0 =	por $0x1, $0x1;
	s1 =	sadd.s32 $0xFFFFFFFF, s3;
	s23 =	sld [smem:$0x7F2]  }
0x8f: {  	[tilespmem:s15], [sflag:$0x1] =	stream.indirect_vreg.gather [hbm4b:s22+s2], $0x80, v2, vm0, $0xb8;
	[tilespmem:$0x10880] =	vst v63  }
0x90: {  	s30 =	simm.s32 $0x7080;
	s29 =	simm.s32 $0x7880;
	s28 =	simm.s32 $0x8080  }
0x91: {  	[tilespmem:s17], [sflag:$0x1] =	stream.indirect_vreg.gather [hbm4b:s23+s2], $0x80, v2, vm0, $0xb8;
	[tilespmem:$0x10880] =	vst v63  }
0x92: {  	s25 =	simm.s32 $0x100;
	s26 =	simm.s32 $0x400;
	_ =	swait.ge [sflag:s7], $0x10800  }
0x93: {  	s5 =	simm.s32 $0x6080;
	s18 =	simm.s32 $0x80;
	s24 =	sld [smem:$0x7F3]  }
0x94: {  	s19 =	simm.s32 $0xC080;
	s20 =	simm.s32 $0xB880;
	[sflag:s7] =	ssyncset.done $0x0  }
.Ltmp1:
0x95: {  	s21 =	simm.s32 $0xB080;
	[sflag:s7] =	ssyncadd.s32 $0xFFFEF800;
	(pc) =	sbr.rel @!p1 .LBB2_3-.Ltmp1, $4  }
0x96: {  	[hbm4b:s24+s25] =	stream.strided.scatter [tilespmem:s31], [sflag:$0x2], $0x10800, s26, s25, $0x38;
	[tilespmem:$0x10880] =	vst v63  }
0x97: {  	s22 =	simm.s32 $0xA880;
	s23 =	simm.s32 $0xA080;
	s31 =	simm.s32 $0x6880  }
0x98: {  	s26 =	simm.s32 $0x8880;
	s25 =	simm.s32 $0x9080;
	_ =	swait.ge [sflag:s4], $0x10800  }
0x99: {  	s24 =	simm.s32 $0x9880;
	s0 =	rddreg [dreg:$0x3];
	[sflag:s4] =	ssyncset.done $0x0  }
.LBB2_4:
0x9a: {  	[sflag:s4] =	ssyncadd.s32 $0xFFFEF800  }
0x9b: {  	[tilespmem:s2], [sflag:$0x2] =	stream.linear.gather [hbm4b:s0+s2], $0x80, $0x38;
	[tilespmem:$0x10880] =	vst v63  }
0x9c: {  	_ =	swait.ge [sflag:s4], $0x80  }
0x9d: {  	[sflag:s4] =	ssyncset.done $0x0  }
0x9e: {  	[sflag:s4] =	ssyncadd.s32 $0xFFFFFF80  }
0x9f: {  	v2 =	vld.msk [tilespmem:$0x0], $0x3;
	_ =	sdelay $0x4  }
0xa0: {  	s0 =	sld [smem:$0x7FD];
	v3 =	vshrl.u32 v2, $0x3  }
0xa1: {  	s3 =	sld [smem:$0x7FC];
	v3 =	vmul.u32 $0x840, v3  }
0xa2: {  	s6 =	sld [smem:$0x7FB];
	v2 =	vand.u32 $0x7, v2  }
0xa3: {  	s8 =	sld [smem:$0x7FA];
	v2 =	vor.u32 v2, v3  }
0xa4: {  	s9 =	sld [smem:$0x7F9];
	v2 =	vperm.xlane v2, v0  }
0xa5: {  	s10 =	sld [smem:$0x7F8]  }
0xa6: {  	s11 =	sld [smem:$0x7F7];
	v2 =	vadd.s32 v1, v2  }
0xa7: {  	s12 =	sld [smem:$0x7F6]  }
0xa8: {  	s13 =	sld [smem:$0x7F5]  }
0xa9: {  	s14 =	sld [smem:$0x7F4]  }
0xaa: {  	s15 =	rddreg [dreg:$0x4]  }
0xab: {  	[tilespmem:s18], [sflag:$0x1] =	stream.indirect_vreg.gather [hbm4b:s16+s2], $0x80, v2, vm0, $0xb8;
	[tilespmem:$0x10880] =	vst v63  }
0xac: {  	s17 =	smov.u32 s16;
	s16 =	rddreg [dreg:$0x5]  }
0xad: {  	[tilespmem:s14], [sflag:$0x1] =	stream.indirect_vreg.gather [hbm4b:s15+s2], $0x80, v2, vm0, $0xb8;
	[tilespmem:$0x10880] =	vst v63  }
0xae: {  	s14 =	rddreg [dreg:$0x6]  }
0xaf: {  	[tilespmem:s13], [sflag:$0x1] =	stream.indirect_vreg.gather [hbm4b:s16+s2], $0x80, v2, vm0, $0xb8;
	[tilespmem:$0x10880] =	vst v63  }
0xb0: {  	s13 =	rddreg [dreg:$0x7]  }
0xb1: {  	[tilespmem:s12], [sflag:$0x1] =	stream.indirect_vreg.gather [hbm4b:s14+s2], $0x80, v2, vm0, $0xb8;
	[tilespmem:$0x10880] =	vst v63  }
0xb2: {  	s12 =	rddreg [dreg:$0x8]  }
0xb3: {  	[tilespmem:s11], [sflag:$0x1] =	stream.indirect_vreg.gather [hbm4b:s13+s2], $0x80, v2, vm0, $0xb8;
	[tilespmem:$0x10880] =	vst v63  }
0xb4: {  	s11 =	rddreg [dreg:$0x9]  }
0xb5: {  	[tilespmem:s10], [sflag:$0x1] =	stream.indirect_vreg.gather [hbm4b:s12+s2], $0x80, v2, vm0, $0xb8;
	[tilespmem:$0x10880] =	vst v63  }
0xb6: {  	s10 =	rddreg [dreg:$0xa]  }
0xb7: {  	[tilespmem:s9], [sflag:$0x1] =	stream.indirect_vreg.gather [hbm4b:s11+s2], $0x80, v2, vm0, $0xb8;
	[tilespmem:$0x10880] =	vst v63  }
0xb8: {  	s9 =	rddreg [dreg:$0xb]  }
0xb9: {  	[tilespmem:s8], [sflag:$0x1] =	stream.indirect_vreg.gather [hbm4b:s10+s2], $0x80, v2, vm0, $0xb8;
	[tilespmem:$0x10880] =	vst v63  }
0xba: {  	s8 =	rddreg [dreg:$0xc]  }
0xbb: {  	[tilespmem:s6], [sflag:$0x1] =	stream.indirect_vreg.gather [hbm4b:s9+s2], $0x80, v2, vm0, $0xb8;
	[tilespmem:$0x10880] =	vst v63  }
0xbc: {  	s9 =	rddreg [dreg:$0xd]  }
0xbd: {  	[tilespmem:s3], [sflag:$0x1] =	stream.indirect_vreg.gather [hbm4b:s8+s2], $0x80, v2, vm0, $0xb8;
	[tilespmem:$0x10880] =	vst v63  }
0xbe: {  	s8 =	rddreg [dreg:$0xe]  }
0xbf: {  	[tilespmem:s0], [sflag:$0x1] =	stream.indirect_vreg.gather [hbm4b:s9+s2], $0x80, v2, vm0, $0xb8;
	[tilespmem:$0x10880] =	vst v63  }
0xc0: {  	s0 =	rddreg [dreg:$0xf];
	s9 =	simm.s32 $0x5880  }
0xc1: {  	[tilespmem:s9], [sflag:$0x1] =	stream.indirect_vreg.gather [hbm4b:s8+s2], $0x80, v2, vm0, $0xb8;
	[tilespmem:$0x10880] =	vst v63  }
0xc2: {  	s8 =	rddreg [dreg:$0x10]  }
0xc3: {  	[tilespmem:s5], [sflag:$0x1] =	stream.indirect_vreg.gather [hbm4b:s0+s2], $0x80, v2, vm0, $0xb8;
	[tilespmem:$0x10880] =	vst v63  }
0xc4: {  	s9 =	rddreg [dreg:$0x11]  }
0xc5: {  	[tilespmem:s31], [sflag:$0x1] =	stream.indirect_vreg.gather [hbm4b:s8+s2], $0x80, v2, vm0, $0xb8;
	[tilespmem:$0x10880] =	vst v63  }
0xc6: {  	s8 =	rddreg [dreg:$0x12]  }
0xc7: {  	[tilespmem:s30], [sflag:$0x1] =	stream.indirect_vreg.gather [hbm4b:s9+s2], $0x80, v2, vm0, $0xb8;
	[tilespmem:$0x10880] =	vst v63  }
0xc8: {  	s9 =	rddreg [dreg:$0x13]  }
0xc9: {  	[tilespmem:s29], [sflag:$0x1] =	stream.indirect_vreg.gather [hbm4b:s8+s2], $0x80, v2, vm0, $0xb8;
	[tilespmem:$0x10880] =	vst v63  }
0xca: {  	s8 =	rddreg [dreg:$0x14]  }
0xcb: {  	[tilespmem:s28], [sflag:$0x1] =	stream.indirect_vreg.gather [hbm4b:s9+s2], $0x80, v2, vm0, $0xb8;
	[tilespmem:$0x10880] =	vst v63  }
0xcc: {  	s9 =	rddreg [dreg:$0x15]  }
0xcd: {  	[tilespmem:s26], [sflag:$0x1] =	stream.indirect_vreg.gather [hbm4b:s8+s2], $0x80, v2, vm0, $0xb8;
	[tilespmem:$0x10880] =	vst v63  }
0xce: {  	s8 =	rddreg [dreg:$0x16]  }
0xcf: {  	[tilespmem:s25], [sflag:$0x1] =	stream.indirect_vreg.gather [hbm4b:s9+s2], $0x80, v2, vm0, $0xb8;
	[tilespmem:$0x10880] =	vst v63  }
0xd0: {  	s9 =	rddreg [dreg:$0x17]  }
0xd1: {  	[tilespmem:s24], [sflag:$0x1] =	stream.indirect_vreg.gather [hbm4b:s8+s2], $0x80, v2, vm0, $0xb8;
	[tilespmem:$0x10880] =	vst v63  }
0xd2: {  	s8 =	rddreg [dreg:$0x18]  }
0xd3: {  	[tilespmem:s23], [sflag:$0x1] =	stream.indirect_vreg.gather [hbm4b:s9+s2], $0x80, v2, vm0, $0xb8;
	[tilespmem:$0x10880] =	vst v63  }
0xd4: {  	s9 =	rddreg [dreg:$0x19]  }
0xd5: {  	[tilespmem:s22], [sflag:$0x1] =	stream.indirect_vreg.gather [hbm4b:s8+s2], $0x80, v2, vm0, $0xb8;
	[tilespmem:$0x10880] =	vst v63  }
0xd6: {  	s8 =	rddreg [dreg:$0x1a]  }
0xd7: {  	[tilespmem:s21], [sflag:$0x1] =	stream.indirect_vreg.gather [hbm4b:s9+s2], $0x80, v2, vm0, $0xb8;
	[tilespmem:$0x10880] =	vst v63  }
0xd8: {  	s9 =	rddreg [dreg:$0x1b]  }
0xd9: {  	[tilespmem:s20], [sflag:$0x1] =	stream.indirect_vreg.gather [hbm4b:s8+s2], $0x80, v2, vm0, $0xb8;
	[tilespmem:$0x10880] =	vst v63  }
0xda: {  	s8 =	rddreg [dreg:$0x1c]  }
0xdb: {  	[tilespmem:s19], [sflag:$0x1] =	stream.indirect_vreg.gather [hbm4b:s9+s2], $0x80, v2, vm0, $0xb8;
	[tilespmem:$0x10880] =	vst v63  }
0xdc: {  	s6 =	simm.s32 $0xC880;
	s9 =	rddreg [dreg:$0x1d]  }
0xdd: {  	[tilespmem:s6], [sflag:$0x1] =	stream.indirect_vreg.gather [hbm4b:s8+s2], $0x80, v2, vm0, $0xb8;
	[tilespmem:$0x10880] =	vst v63  }
0xde: {  	s13 =	simm.s32 $0xD080;
	s6 =	rddreg [dreg:$0x1e]  }
0xdf: {  	[tilespmem:s13], [sflag:$0x1] =	stream.indirect_vreg.gather [hbm4b:s9+s2], $0x80, v2, vm0, $0xb8;
	[tilespmem:$0x10880] =	vst v63  }
0xe0: {  	s12 =	simm.s32 $0xD880;
	s8 =	rddreg [dreg:$0x1f]  }
0xe1: {  	[tilespmem:s12], [sflag:$0x1] =	stream.indirect_vreg.gather [hbm4b:s6+s2], $0x80, v2, vm0, $0xb8;
	[tilespmem:$0x10880] =	vst v63  }
0xe2: {  	s11 =	simm.s32 $0xE080;
	s9 =	sld [smem:$0x7EF]  }
0xe3: {  	[tilespmem:s11], [sflag:$0x1] =	stream.indirect_vreg.gather [hbm4b:s8+s2], $0x80, v2, vm0, $0xb8;
	[tilespmem:$0x10880] =	vst v63  }
0xe4: {  	s10 =	simm.s32 $0xE880;
	s6 =	sld [smem:$0x7F0]  }
0xe5: {  	[tilespmem:s10], [sflag:$0x1] =	stream.indirect_vreg.gather [hbm4b:s9+s2], $0x80, v2, vm0, $0xb8;
	[tilespmem:$0x10880] =	vst v63  }
0xe6: {  	s14 =	simm.s32 $0xF080;
	s8 =	sld [smem:$0x7F1]  }
0xe7: {  	[tilespmem:s14], [sflag:$0x1] =	stream.indirect_vreg.gather [hbm4b:s6+s2], $0x80, v2, vm0, $0xb8;
	[tilespmem:$0x10880] =	vst v63  }
0xe8: {  	s15 =	simm.s32 $0xF880;
	s9 =	sld [smem:$0x7F2]  }
0xe9: {  	[tilespmem:s15], [sflag:$0x1] =	stream.indirect_vreg.gather [hbm4b:s8+s2], $0x80, v2, vm0, $0xb8;
	[tilespmem:$0x10880] =	vst v63  }
0xea: {  	s16 =	smov.u32 s17;
	s17 =	simm.s32 $0x10080  }
0xeb: {  	[tilespmem:s17], [sflag:$0x1] =	stream.indirect_vreg.gather [hbm4b:s9+s2], $0x80, v2, vm0, $0xb8;
	[tilespmem:$0x10880] =	vst v63  }
0xec: {  	_ =	swait.ge [sflag:s7], $0x10800  }
0xed: {  	p1 =	sne.s32 s1, $0x1;
	s8 =	sld [smem:$0x7F3]  }
.Ltmp2:
0xee: {  	[sflag:s7] =	ssyncset.done $0x0;
	(pc) =	sbr.rel @p1 .LBB2_4-.Ltmp2, $4  }
0xef: {  	s6 =	simm.s32 $0x100;
	s9 =	simm.s32 $0x400;
	[sflag:s7] =	ssyncadd.s32 $0xFFFEF800  }
0xf0: {  	[hbm4b:s8+s6] =	stream.strided.scatter [tilespmem:s18], [sflag:$0x2], $0x10800, s9, s6, $0x38;
	[tilespmem:$0x10880] =	vst v63  }
0xf1: {  	_ =	swait.ge [sflag:s4], $0x10800  }
0xf2: {  	s1 =	sadd.s32 $0xFFFFFFFF, s1;
	s0 =	rddreg [dreg:$0x3];
	[sflag:s4] =	ssyncset.done $0x0  }
0xf3: {  	s18 =	simm.s32 $0x5880  }
0xf4: {  	s5 =	simm.s32 $0x6080;
	s31 =	simm.s32 $0x6880;
	s30 =	simm.s32 $0x7080  }
0xf5: {  	s29 =	simm.s32 $0x7880;
	s28 =	simm.s32 $0x8080;
	s26 =	simm.s32 $0x8880  }
0xf6: {  	s25 =	simm.s32 $0x9080;
	s24 =	simm.s32 $0x9880;
	s23 =	simm.s32 $0xA080  }
0xf7: {  	s22 =	simm.s32 $0xA880;
	s21 =	simm.s32 $0xB080;
	s20 =	simm.s32 $0xB880  }
0xf8: {  	s19 =	simm.s32 $0xC080;
	s8 =	simm.s32 $0xC880;
	s9 =	rddreg [dreg:$0x2]  }
.LBB2_6:
0xf9: {  	[sflag:s4] =	ssyncadd.s32 @p0 $0xFFFEF800  }
0xfa: {  	[tilespmem:s2], [sflag:$0x2] =	stream.linear.gather [hbm4b:s0+s2], $0x80, $0x38;
	[tilespmem:$0x10880] =	vst v63  }
0xfb: {  	_ =	swait.ge [sflag:s4], $0x80  }
0xfc: {  	[sflag:s4] =	ssyncset.done $0x0  }
0xfd: {  	[sflag:s4] =	ssyncadd.s32 $0xFFFFFF80  }
0xfe: {  	v2 =	vld.msk [tilespmem:$0x0], $0x3;
	_ =	sdelay $0x4  }
0xff: {  	v3 =	vshrl.u32 v2, $0x3  }
0x100: {  	v3 =	vmul.u32 $0x840, v3  }
0x101: {  	v2 =	vand.u32 $0x7, v2  }
0x102: {  	v2 =	vor.u32 v2, v3  }
0x103: {  	v0 =	vperm.xlane v2, v0;
	_ =	sdelay $0x1  }
0x104: {  	v0 =	vadd.s32 v1, v0;
	_ =	sdelay $0x1  }
0x105: {  	s0 =	sld [smem:$0x7F4]  }
0x106: {  	s1 =	rddreg [dreg:$0x4]  }
0x107: {  	s6 =	simm.s32 $0x80;
	s3 =	sld [smem:$0x7F5]  }
0x108: {  	[tilespmem:s6], [sflag:$0x1] =	stream.indirect_vreg.gather [hbm4b:s16+s2], $0x80, v0, vm0, $0xb8;
	[tilespmem:$0x10880] =	vst v63  }
0x109: {  	s6 =	rddreg [dreg:$0x5]  }
0x10a: {  	[tilespmem:s0], [sflag:$0x1] =	stream.indirect_vreg.gather [hbm4b:s1+s2], $0x80, v0, vm0, $0xb8;
	[tilespmem:$0x10880] =	vst v63  }
0x10b: {  	s0 =	sld [smem:$0x7F6]  }
0x10c: {  	s1 =	rddreg [dreg:$0x6]  }
0x10d: {  	[tilespmem:s3], [sflag:$0x1] =	stream.indirect_vreg.gather [hbm4b:s6+s2], $0x80, v0, vm0, $0xb8;
	[tilespmem:$0x10880] =	vst v63  }
0x10e: {  	s3 =	sld [smem:$0x7F7]  }
0x10f: {  	s6 =	rddreg [dreg:$0x7]  }
0x110: {  	[tilespmem:s0], [sflag:$0x1] =	stream.indirect_vreg.gather [hbm4b:s1+s2], $0x80, v0, vm0, $0xb8;
	[tilespmem:$0x10880] =	vst v63  }
0x111: {  	s0 =	sld [smem:$0x7F8]  }
0x112: {  	s1 =	rddreg [dreg:$0x8]  }
0x113: {  	[tilespmem:s3], [sflag:$0x1] =	stream.indirect_vreg.gather [hbm4b:s6+s2], $0x80, v0, vm0, $0xb8;
	[tilespmem:$0x10880] =	vst v63  }
0x114: {  	s3 =	sld [smem:$0x7F9]  }
0x115: {  	s6 =	rddreg [dreg:$0x9]  }
0x116: {  	[tilespmem:s0], [sflag:$0x1] =	stream.indirect_vreg.gather [hbm4b:s1+s2], $0x80, v0, vm0, $0xb8;
	[tilespmem:$0x10880] =	vst v63  }
0x117: {  	s0 =	sld [smem:$0x7FA]  }
0x118: {  	s1 =	rddreg [dreg:$0xa]  }
0x119: {  	[tilespmem:s3], [sflag:$0x1] =	stream.indirect_vreg.gather [hbm4b:s6+s2], $0x80, v0, vm0, $0xb8;
	[tilespmem:$0x10880] =	vst v63  }
0x11a: {  	s3 =	sld [smem:$0x7FB]  }
0x11b: {  	s6 =	rddreg [dreg:$0xb]  }
0x11c: {  	[tilespmem:s0], [sflag:$0x1] =	stream.indirect_vreg.gather [hbm4b:s1+s2], $0x80, v0, vm0, $0xb8;
	[tilespmem:$0x10880] =	vst v63  }
0x11d: {  	s0 =	sld [smem:$0x7FC]  }
0x11e: {  	s1 =	rddreg [dreg:$0xc]  }
0x11f: {  	[tilespmem:s3], [sflag:$0x1] =	stream.indirect_vreg.gather [hbm4b:s6+s2], $0x80, v0, vm0, $0xb8;
	[tilespmem:$0x10880] =	vst v63  }
0x120: {  	s3 =	sld [smem:$0x7FD]  }
0x121: {  	s6 =	rddreg [dreg:$0xd]  }
0x122: {  	[tilespmem:s0], [sflag:$0x1] =	stream.indirect_vreg.gather [hbm4b:s1+s2], $0x80, v0, vm0, $0xb8;
	[tilespmem:$0x10880] =	vst v63  }
0x123: {  	s1 =	rddreg [dreg:$0xe]  }
0x124: {  	[tilespmem:s3], [sflag:$0x1] =	stream.indirect_vreg.gather [hbm4b:s6+s2], $0x80, v0, vm0, $0xb8;
	[tilespmem:$0x10880] =	vst v63  }
0x125: {  	s6 =	rddreg [dreg:$0xf]  }
0x126: {  	[tilespmem:s18], [sflag:$0x1] =	stream.indirect_vreg.gather [hbm4b:s1+s2], $0x80, v0, vm0, $0xb8;
	[tilespmem:$0x10880] =	vst v63  }
0x127: {  	s3 =	rddreg [dreg:$0x11]  }
0x128: {  	[tilespmem:s5], [sflag:$0x1] =	stream.indirect_vreg.gather [hbm4b:s6+s2], $0x80, v0, vm0, $0xb8;
	[tilespmem:$0x10880] =	vst v63  }
0x129: {  	s18 =	rddreg [dreg:$0x10]  }
0x12a: {  	[tilespmem:s31], [sflag:$0x1] =	stream.indirect_vreg.gather [hbm4b:s18+s2], $0x80, v0, vm0, $0xb8;
	[tilespmem:$0x10880] =	vst v63  }
0x12b: {  	s5 =	rddreg [dreg:$0x12]  }
0x12c: {  	[tilespmem:s30], [sflag:$0x1] =	stream.indirect_vreg.gather [hbm4b:s3+s2], $0x80, v0, vm0, $0xb8;
	[tilespmem:$0x10880] =	vst v63  }
0x12d: {  	s6 =	rddreg [dreg:$0x13]  }
0x12e: {  	[tilespmem:s29], [sflag:$0x1] =	stream.indirect_vreg.gather [hbm4b:s5+s2], $0x80, v0, vm0, $0xb8;
	[tilespmem:$0x10880] =	vst v63  }
0x12f: {  	s18 =	rddreg [dreg:$0x14]  }
0x130: {  	[tilespmem:s28], [sflag:$0x1] =	stream.indirect_vreg.gather [hbm4b:s6+s2], $0x80, v0, vm0, $0xb8;
	[tilespmem:$0x10880] =	vst v63  }
0x131: {  	s31 =	rddreg [dreg:$0x18]  }
0x132: {  	[tilespmem:s26], [sflag:$0x1] =	stream.indirect_vreg.gather [hbm4b:s18+s2], $0x80, v0, vm0, $0xb8;
	[tilespmem:$0x10880] =	vst v63  }
0x133: {  	s28 =	rddreg [dreg:$0x15]  }
0x134: {  	[tilespmem:s25], [sflag:$0x1] =	stream.indirect_vreg.gather [hbm4b:s28+s2], $0x80, v0, vm0, $0xb8;
	[tilespmem:$0x10880] =	vst v63  }
0x135: {  	s29 =	rddreg [dreg:$0x16]  }
0x136: {  	[tilespmem:s24], [sflag:$0x1] =	stream.indirect_vreg.gather [hbm4b:s29+s2], $0x80, v0, vm0, $0xb8;
	[tilespmem:$0x10880] =	vst v63  }
0x137: {  	s30 =	rddreg [dreg:$0x17]  }
0x138: {  	[tilespmem:s23], [sflag:$0x1] =	stream.indirect_vreg.gather [hbm4b:s30+s2], $0x80, v0, vm0, $0xb8;
	[tilespmem:$0x10880] =	vst v63  }
0x139: {  	s3 =	rddreg [dreg:$0x19]  }
0x13a: {  	[tilespmem:s22], [sflag:$0x1] =	stream.indirect_vreg.gather [hbm4b:s31+s2], $0x80, v0, vm0, $0xb8;
	[tilespmem:$0x10880] =	vst v63  }
0x13b: {  	s5 =	rddreg [dreg:$0x1a]  }
0x13c: {  	[tilespmem:s21], [sflag:$0x1] =	stream.indirect_vreg.gather [hbm4b:s3+s2], $0x80, v0, vm0, $0xb8;
	[tilespmem:$0x10880] =	vst v63  }
0x13d: {  	s6 =	rddreg [dreg:$0x1b]  }
0x13e: {  	[tilespmem:s20], [sflag:$0x1] =	stream.indirect_vreg.gather [hbm4b:s5+s2], $0x80, v0, vm0, $0xb8;
	[tilespmem:$0x10880] =	vst v63  }
0x13f: {  	s18 =	rddreg [dreg:$0x1c]  }
0x140: {  	[tilespmem:s19], [sflag:$0x1] =	stream.indirect_vreg.gather [hbm4b:s6+s2], $0x80, v0, vm0, $0xb8;
	[tilespmem:$0x10880] =	vst v63  }
0x141: {  	s23 =	sld [smem:$0x7EF]  }
0x142: {  	[tilespmem:s8], [sflag:$0x1] =	stream.indirect_vreg.gather [hbm4b:s18+s2], $0x80, v0, vm0, $0xb8;
	[tilespmem:$0x10880] =	vst v63  }
0x143: {  	s20 =	rddreg [dreg:$0x1d]  }
0x144: {  	[tilespmem:s13], [sflag:$0x1] =	stream.indirect_vreg.gather [hbm4b:s20+s2], $0x80, v0, vm0, $0xb8;
	[tilespmem:$0x10880] =	vst v63  }
0x145: {  	s21 =	rddreg [dreg:$0x1e]  }
0x146: {  	[tilespmem:s12], [sflag:$0x1] =	stream.indirect_vreg.gather [hbm4b:s21+s2], $0x80, v0, vm0, $0xb8;
	[tilespmem:$0x10880] =	vst v63  }
0x147: {  	s22 =	rddreg [dreg:$0x1f]  }
0x148: {  	[tilespmem:s11], [sflag:$0x1] =	stream.indirect_vreg.gather [hbm4b:s22+s2], $0x80, v0, vm0, $0xb8;
	[tilespmem:$0x10880] =	vst v63  }
0x149: {  	s24 =	sld [smem:$0x7F0]  }
0x14a: {  	[tilespmem:s10], [sflag:$0x1] =	stream.indirect_vreg.gather [hbm4b:s23+s2], $0x80, v0, vm0, $0xb8;
	[tilespmem:$0x10880] =	vst v63  }
0x14b: {  	s25 =	sld [smem:$0x7F1]  }
0x14c: {  	[tilespmem:s14], [sflag:$0x1] =	stream.indirect_vreg.gather [hbm4b:s24+s2], $0x80, v0, vm0, $0xb8;
	[tilespmem:$0x10880] =	vst v63  }
0x14d: {  	s26 =	sld [smem:$0x7F2]  }
0x14e: {  	[tilespmem:s15], [sflag:$0x1] =	stream.indirect_vreg.gather [hbm4b:s25+s2], $0x80, v0, vm0, $0xb8;
	[tilespmem:$0x10880] =	vst v63  }
0x14f: {  	_ = 	snop  }
0x150: {  	[tilespmem:s17], [sflag:$0x1] =	stream.indirect_vreg.gather [hbm4b:s26+s2], $0x80, v0, vm0, $0xb8;
	[tilespmem:$0x10880] =	vst v63  }
0x151: {  	_ =	swait.ge [sflag:s7], $0x10800  }
0x152: {  	s28 =	sld [smem:$0x7F3]  }
0x153: {  	s16 =	simm.s32 $0x80;
	[sflag:s7] =	ssyncset.done $0x0  }
0x154: {  	s29 =	simm.s32 $0x100;
	s30 =	simm.s32 $0x400;
	[sflag:s7] =	ssyncadd.s32 $0xFFFEF800  }
0x155: {  	[hbm4b:s28+s29] =	stream.strided.scatter [tilespmem:s16], [sflag:$0x2], $0x10800, s30, s29, $0x38;
	[tilespmem:$0x10880] =	vst v63  }
0x156: {  	_ =	swait.ge [sflag:s4], $0x10800  }
0x157: {  	[sflag:s4] =	ssyncset.done $0x0  }
0x158: {  	[sflag:s4] =	ssyncadd.s32 $0xFFFEF800  }
0x159: {  	_ =	sfence.sel $0x180000  }
0x15a: {  	s31 =	stileid.u32;
	[bflag:$0x0] =	sbarrier.arrive $0xFFFF  }
0x15b: {  	p0 =	sne.s32 s31, $0x0;
	_ =	strace $0x90000047  }
0x15c: {  	s0 =	sadd.s32 @!p0 $0x100000, s9;
	[bflag:$0x2] =	sbarrier.arrive $0xFFFF  }
0x15d: {  	[sflag:s0] =	ssyncadd.tile.s32 @!p0 $0x1;
	_ =	shalt  }
.LBB2_1:
0x15e: {  	s18 =	simm.s32 $0x5880  }
.Ltmp3:
0x15f: {  	s5 =	simm.s32 $0x6080;
	s31 =	simm.s32 $0x6880;
	(pc) =	sbr.rel .LBB2_6-.Ltmp3, $4  }
0x160: {  	s30 =	simm.s32 $0x7080;
	s29 =	simm.s32 $0x7880;
	s28 =	simm.s32 $0x8080  }
0x161: {  	s26 =	simm.s32 $0x8880;
	s25 =	simm.s32 $0x9080;
	s24 =	simm.s32 $0x9880  }
0x162: {  	s23 =	simm.s32 $0xA080;
	s22 =	simm.s32 $0xA880;
	s21 =	simm.s32 $0xB080  }
0x163: {  	s20 =	simm.s32 $0xB880;
	s19 =	simm.s32 $0xC080;
	s8 =	simm.s32 $0xC880  }
.LBB2_3:
0x164: {  	s18 =	simm.s32 $0x5880;
	s5 =	simm.s32 $0x6080  }
.Ltmp4:
0x165: {  	s31 =	simm.s32 $0x6880;
	s30 =	simm.s32 $0x7080;
	(pc) =	sbr.rel .LBB2_6-.Ltmp4, $4  }
0x166: {  	s29 =	simm.s32 $0x7880;
	s28 =	simm.s32 $0x8080;
	s26 =	simm.s32 $0x8880  }
0x167: {  	s25 =	simm.s32 $0x9080;
	s24 =	simm.s32 $0x9880;
	s23 =	simm.s32 $0xA080  }
0x168: {  	s22 =	simm.s32 $0xA880;
	s21 =	simm.s32 $0xB080;
	s20 =	simm.s32 $0xB880  }
0x169: {  	s19 =	simm.s32 $0xC080;
	s8 =	simm.s32 $0xC880;
	s9 =	rddreg [dreg:$0x2]  }
.Lfunc_end2:
_tile_overlayer_lowered:
.L_overlay_start_2:
0x16a: {  	(tag) =	ssettag $0x2  }
0x16b: {  	s0 =	rddreg [dreg:$0x0];
	s2 =	stileid.u32  }
0x16c: {  	s1 =	rddreg [dreg:$0x1];
	p0 =	sne.s32 s2, $0x0  }
0x16d: {  	s3 =	rddreg [dreg:$0x2];
	[bflag:$0x3] =	sbarrier.arrive $0xFFFF;
	s2 =	simm.s32 @!p0 $0x1C02  }
0x16e: {  	[timem:s3], [sflag:s2] =	dma.local @!p0 [hbm:s0], s1  }
0x16f: {  	s0 =	simm.s32 @!p0 $0x2  }
0x170: {  	_ =	swait.ge @!p0 [sflag:s0], s1  }
0x171: {  	s1 =	ssub.s32 @!p0 $0x0, s1;
	[sflag:s0] =	ssyncset.done @!p0 $0x0  }
0x172: {  	[sflag:s0] =	ssyncadd.s32 @!p0 s1  }
0x173: {  	[bflag:$0x3] =	sbarrier.arrive $0xFFFF  }
0x174: {  	_ =	shalt  }

</sc_bundles>
